<compile_context>
chip_gen: v7x
topology: tpu7x:2x2x1
jax: 0.10.2.dev20260603
libtpu: 0.0.44.dev20260713+nightly
codegen_flags: <defaults>
</compile_context>

<pallas_src>
import functools

import jax
import jax.numpy as jnp
from jax import lax
from jax.experimental import pallas as pl
from jax.experimental.pallas import tpu as pltpu
from jax.experimental.pallas import tpu_sc as plsc

_VOCAB = 100000
_DIM = 32
_PAIRS = _DIM // 2
_BATCH = 16384
_NUM_NEG = 20

_NC = 2
_NS = 16
_NW = _NC * _NS
_LANES = 16

_BPW = _BATCH // _NW
_CHB = 32
_NCHUNK = _BPW // _CHB
_ROWS_CH = _CHB * _NUM_NEG
_IDXW = 128
_NIDX_CH = _ROWS_CH // _IDXW
_CROWS = _BPW // _IDXW


def _logsig(x):
    a = jnp.abs(x)
    z = jnp.exp(-a)
    s = z / (2.0 + z)
    s2 = s * s
    p = 1.0 + s2 * (0.3333333432674408 + s2 * (0.2 + s2 * 0.14285714924335480))
    return jnp.minimum(x, 0.0) - 2.0 * s * p


def _sc_body(cidx_hbm, xidx_hbm, nidx_hbm, wc_hbm, wx_hbm, out_hbm,
             cidx_v, xidx_v, nidx_v, cbuf, xbuf, nbuf0, nbuf1, accv,
             sem_cx, sem_n0, sem_n1):
    wid = lax.axis_index("s") * _NC + lax.axis_index("c")
    lane = lax.iota(jnp.int32, _LANES)
    lane20 = lane * _NUM_NEG

    pltpu.sync_copy(cidx_hbm.at[pl.ds(wid * _CROWS, _CROWS)], cidx_v)
    pltpu.sync_copy(xidx_hbm.at[pl.ds(wid * _CROWS, _CROWS)], xidx_v)

    cx_ops = []
    for r in range(_CROWS):
        cx_ops.append(pltpu.async_copy(
            wc_hbm.at[cidx_v.at[r]],
            cbuf.at[pl.ds(r * _IDXW, _IDXW)], sem_cx))
        cx_ops.append(pltpu.async_copy(
            wx_hbm.at[xidx_v.at[r]],
            xbuf.at[pl.ds(r * _IDXW, _IDXW)], sem_cx))
    pltpu.sync_copy(nidx_hbm.at[pl.ds(wid * _NCHUNK * _NIDX_CH,
                                      _NCHUNK * _NIDX_CH)], nidx_v)

    def fire_chunk(c, buf, sem):
        for j in range(_NIDX_CH):
            pltpu.async_copy(wx_hbm.at[nidx_v.at[c * _NIDX_CH + j]],
                             buf.at[pl.ds(j * _IDXW, _IDXW)], sem)

    def drain_chunk(buf, sem):
        for j in range(_NIDX_CH):
            pltpu.make_async_copy(
                wx_hbm.at[nidx_v.at[j]],
                buf.at[pl.ds(j * _IDXW, _IDXW)], sem).wait()

    fire_chunk(0, nbuf0, sem_n0)
    for op in cx_ops:
        op.wait()

    def as_bf(v):
        return plsc.bitcast(v, jnp.bfloat16)

    def group_partial(buf, c, g2):
        crow = lane + (c * _CHB + g2 * _LANES)
        nrows = [lane20 + (g2 * _LANES * _NUM_NEG + n)
                 for n in range(_NUM_NEG)]
        zero = jnp.zeros((2 * _LANES,), jnp.bfloat16)
        init = (zero,) * (1 + _NUM_NEG)

        def dbody(d, accs):
            dd = jnp.full((_LANES,), d, jnp.int32)
            cd = plsc.load_gather(cbuf, [crow, dd])
            cd16 = plsc.load_gather(cbuf, [crow, dd + _PAIRS])
            cp = plsc.pack(cd, cd16, format=plsc.PackFormat.INTERLEAVED)
            xp = as_bf(plsc.load_gather(xbuf, [crow, dd]))
            out = [accs[0] + cp * xp]
            for n in range(_NUM_NEG):
                rp = as_bf(plsc.load_gather(buf, [nrows[n], dd]))
                out.append(accs[n + 1] + cp * rp)
            return tuple(out)

        accs = lax.fori_loop(0, _PAIRS, dbody, init)

        def fin(a):
            ai, bi = plsc.unpack(a, format=plsc.PackFormat.INTERLEAVED,
                                 preferred_element_type=jnp.float32)
            return ai + bi

        part = _logsig(fin(accs[0]))
        for n in range(_NUM_NEG):
            part = part + _logsig(-fin(accs[n + 1]))
        return part

    def chunk_pair(t, acc):
        c0 = 2 * t
        drain_chunk(nbuf0, sem_n0)
        fire_chunk(c0 + 1, nbuf1, sem_n1)
        acc = acc + group_partial(nbuf0, c0, 0)
        acc = acc + group_partial(nbuf0, c0, 1)
        drain_chunk(nbuf1, sem_n1)

        @pl.when(t < _NCHUNK // 2 - 1)
        def _():
            fire_chunk(c0 + 2, nbuf0, sem_n0)

        acc = acc + group_partial(nbuf1, c0 + 1, 0)
        acc = acc + group_partial(nbuf1, c0 + 1, 1)
        return acc

    acc = lax.fori_loop(0, _NCHUNK // 2, chunk_pair,
                        jnp.zeros((_LANES,), jnp.float32))
    accv[...] = acc
    pltpu.sync_copy(accv, out_hbm.at[wid])


@functools.partial(jax.jit, static_argnums=())
def _run_sc(cidx, xidx, nidx, wc, wx):
    mesh = plsc.VectorSubcoreMesh(core_axis_name="c", subcore_axis_name="s")
    f = pl.kernel(
        _sc_body,
        out_type=jax.ShapeDtypeStruct((_NW, _LANES), jnp.float32),
        mesh=mesh,
        scratch_types=[
            pltpu.VMEM((_CROWS, _IDXW), jnp.int32),
            pltpu.VMEM((_CROWS, _IDXW), jnp.int32),
            pltpu.VMEM((_NCHUNK * _NIDX_CH, _IDXW), jnp.int32),
            pltpu.VMEM((_BPW, _DIM), jnp.float32),
            pltpu.VMEM((_BPW, _PAIRS), jnp.int32),
            pltpu.VMEM((_ROWS_CH, _PAIRS), jnp.int32),
            pltpu.VMEM((_ROWS_CH, _PAIRS), jnp.int32),
            pltpu.VMEM((_LANES,), jnp.float32),
            pltpu.SemaphoreType.DMA,
            pltpu.SemaphoreType.DMA,
            pltpu.SemaphoreType.DMA,
        ],
        compiler_params=pltpu.CompilerParams(needs_layout_passes=False,
                                             use_tc_tiling_on_sc=False),
    )
    return f(cidx, xidx, nidx, wc, wx)


_VPW = _VOCAB // _NW
_PCH = 625
_NPCH = _VPW // _PCH


def _pack_body(w_hbm, out_hbm, bin0, bin1, bout, sem0, sem1):
    wid = lax.axis_index("s") * _NC + lax.axis_index("c")
    base = wid * _VPW
    fbase = base * _DIM
    fch = _PCH * _DIM
    op0 = pltpu.async_copy(w_hbm.at[pl.ds(fbase, fch)], bin0, sem0)
    bins = (bin0, bin1)
    sems = (sem0, sem1)

    for c in range(_NPCH):
        if c == 0:
            op0.wait()
        else:
            pltpu.make_async_copy(w_hbm.at[pl.ds(fbase, fch)],
                                  bins[c % 2], sems[c % 2]).wait()
        if c + 1 < _NPCH:
            pltpu.async_copy(w_hbm.at[pl.ds(fbase + (c + 1) * fch, fch)],
                             bins[(c + 1) % 2], sems[(c + 1) % 2])
        bin_c = bins[c % 2]

        def rbody(r, carry, bin_c=bin_c):
            a = bin_c[pl.ds(r * _DIM, _PAIRS)]
            b = bin_c[pl.ds(r * _DIM + _PAIRS, _PAIRS)]
            p = plsc.pack(a, b, format=plsc.PackFormat.INTERLEAVED)
            bout[r, ...] = plsc.bitcast(p, jnp.int32)
            return carry

        lax.fori_loop(0, _PCH, rbody, 0)
        pltpu.sync_copy(bout, out_hbm.at[pl.ds(base + c * _PCH, _PCH)])


@jax.jit
def _run_pack(w):
    mesh = plsc.VectorSubcoreMesh(core_axis_name="c", subcore_axis_name="s")
    f = pl.kernel(
        _pack_body,
        out_type=jax.ShapeDtypeStruct((_VOCAB, _PAIRS), jnp.int32),
        mesh=mesh,
        scratch_types=[
            pltpu.VMEM((_PCH * _DIM,), jnp.float32),
            pltpu.VMEM((_PCH * _DIM,), jnp.float32),
            pltpu.VMEM((_PCH, _PAIRS), jnp.int32),
            pltpu.SemaphoreType.DMA,
            pltpu.SemaphoreType.DMA,
        ],
        compiler_params=pltpu.CompilerParams(needs_layout_passes=False,
                                             use_tc_tiling_on_sc=False),
    )
    return f(w)


def kernel(center_ids, context_ids, negative_ids, W_center, W_context):
    cidx = center_ids.astype(jnp.int32).reshape(_BATCH // _IDXW, _IDXW)
    xidx = context_ids.astype(jnp.int32).reshape(_BATCH // _IDXW, _IDXW)
    nidx = negative_ids.astype(jnp.int32).reshape(
        _BATCH * _NUM_NEG // _IDXW, _IDXW)
    wc = W_center
    wx = _run_pack(W_context.reshape(-1))
    partials = _run_sc(cidx, xidx, nidx, wc, wx)
    return -(jnp.sum(partials) / _BATCH)

# --- scband reference (transcript-rebuilt; emitter-appended) ---
"""Pipeline reference for scband-block2-vec-37555194036441 (READ-ONLY COPY).

The authoritative reference and input builder live on the scoring server;
editing this copy changes nothing except your own understanding.
"""

import jax, jax.numpy as jnp
import numpy as np

VOCAB = 100000
DIM = 32
BATCH = 16384
NUM_NEG = 20


def setup_inputs(seed: int = 0) -> dict:
    key = jax.random.key(seed)
    k1, k2, k3, k4, k5 = jax.random.split(key, 5)
    center_ids = jax.random.randint(k1, (BATCH,), 0, VOCAB, dtype=jnp.int64 if jax.config.jax_enable_x64 else jnp.int32)
    context_ids = jax.random.randint(k2, (BATCH,), 0, VOCAB, dtype=jnp.int64 if jax.config.jax_enable_x64 else jnp.int32)
    negative_ids = jax.random.randint(k3, (BATCH, NUM_NEG), 0, VOCAB, dtype=jnp.int64 if jax.config.jax_enable_x64 else jnp.int32)
    init_range = 0.5 / DIM
    W_center = jax.random.uniform(k4, (VOCAB, DIM), dtype=jnp.float32, minval=-init_range, maxval=init_range)
    W_context = jax.random.uniform(k5, (VOCAB, DIM), dtype=jnp.float32, minval=-init_range, maxval=init_range)
    return {
        "center_ids": center_ids,
        "context_ids": context_ids,
        "negative_ids": negative_ids,
        "W_center": W_center,
        "W_context": W_context,
    }


def reference(center_ids, context_ids, negative_ids, W_center, W_context):
    # Embedding lookups (gather)
    center_emb = jnp.take(W_center, center_ids, axis=0)          # [B, D]
    context_emb = jnp.take(W_context, context_ids, axis=0)       # [B, D]
    pos_score = jnp.sum(center_emb * context_emb, axis=1)        # [B]
    pos_loss = jax.nn.log_sigmoid(pos_score)                     # [B]
    neg_emb = jnp.take(W_context, negative_ids, axis=0)          # [B, N, D]
    center_exp = center_emb[:, None, :]                          # [B, 1, D]
    neg_score = jnp.sum(center_exp * neg_emb, axis=2)            # [B, N]
    neg_loss = jnp.sum(jax.nn.log_sigmoid(-neg_score), axis=1)   # [B]
    loss = -jnp.mean(pos_loss + neg_loss)
    return loss

if __name__ == "__main__":
    import jax
    _d = setup_inputs()
    print(jax.jit(kernel)(*tuple(_d.values())))

</pallas_src>

<mosaic_0001>
#map = affine_map<(d0, d1) -> (0)>
#map1 = affine_map<(d0, d1) -> (0, 0)>
module attributes {stable_mosaic.version = 14 : i64} {
  func.func @_pack_body(%arg0: i32, %arg1: i32, %arg2: memref<3200000xf32, #tpu.memory_space<hbm>>, %arg3: memref<100000x16xi32, #tpu.memory_space<hbm>>, %arg4: memref<20000xf32, #tpu.memory_space<vmem>>, %arg5: memref<20000xf32, #tpu.memory_space<vmem>>, %arg6: memref<625x16xi32, #tpu.memory_space<vmem>>, %arg7: memref<!tpu.dma_semaphore, #tpu.memory_space<semaphore_mem>>, %arg8: memref<!tpu.dma_semaphore, #tpu.memory_space<semaphore_mem>>) attributes {dimension_semantics = [#tpu.dimension_semantics<core_parallel>, #tpu.dimension_semantics<subcore_parallel>], iteration_bounds = array<i64: 2, 16>, scalar_prefetch = 0 : i64, scratch_operands = 5 : i64, tpu.core_type = #tpu.core_type<sc_vector_subcore>, window_params = [{transform_indices = #map}, {transform_indices = #map1}]} {
    %mul3A = arith.constant 2 : i32
    %mul3A_0 = arith.muli %arg1, %mul3A : i32
    %add3A = arith.addi %mul3A_0, %arg0 : i32
    %mul3A_1 = arith.constant 3125 : i32
    %mul3A_2 = arith.muli %add3A, %mul3A_1 : i32
    %mul3A_3 = arith.constant 32 : i32
    %mul3A_4 = arith.muli %mul3A_2, %mul3A_3 : i32
    %dma_start3A = tpu.memref_slice %arg2[%mul3A_4] : memref<3200000xf32, #tpu.memory_space<hbm>> -> memref<20000xf32, #tpu.memory_space<hbm>>
    %dma_start3A_5 = tpu.memref_slice %arg2[%mul3A_4] : memref<3200000xf32, #tpu.memory_space<hbm>> -> memref<20000xf32, #tpu.memory_space<hbm>>
    tpu.enqueue_dma source(%dma_start3A_5 : memref<20000xf32, #tpu.memory_space<hbm>>) target(%arg4 : memref<20000xf32, #tpu.memory_space<vmem>>) target_semaphore(%arg7 : memref<!tpu.dma_semaphore, #tpu.memory_space<semaphore_mem>>)
    %dma_wait3A = tpu.memref_slice %arg2[%mul3A_4] : memref<3200000xf32, #tpu.memory_space<hbm>> -> memref<20000xf32, #tpu.memory_space<hbm>>
    %dma_wait3A_6 = tpu.memref_slice %arg2[%mul3A_4] : memref<3200000xf32, #tpu.memory_space<hbm>> -> memref<20000xf32, #tpu.memory_space<hbm>>
    tpu.wait_dma2 semaphore(%arg7 : memref<!tpu.dma_semaphore, #tpu.memory_space<semaphore_mem>>) src(%dma_wait3A_6 : memref<20000xf32, #tpu.memory_space<hbm>>) dst(%arg4 : memref<20000xf32, #tpu.memory_space<vmem>>)
    %add3A_7 = arith.constant 20000 : i32
    %add3A_8 = arith.addi %mul3A_4, %add3A_7 : i32
    %dma_start3A_9 = tpu.memref_slice %arg2[%add3A_8] : memref<3200000xf32, #tpu.memory_space<hbm>> -> memref<20000xf32, #tpu.memory_space<hbm>>
    %dma_start3A_10 = tpu.memref_slice %arg2[%add3A_8] : memref<3200000xf32, #tpu.memory_space<hbm>> -> memref<20000xf32, #tpu.memory_space<hbm>>
    tpu.enqueue_dma source(%dma_start3A_10 : memref<20000xf32, #tpu.memory_space<hbm>>) target(%arg5 : memref<20000xf32, #tpu.memory_space<vmem>>) target_semaphore(%arg8 : memref<!tpu.dma_semaphore, #tpu.memory_space<semaphore_mem>>)
    %scan3A = arith.constant 0 : i32
    %scan3A_11 = arith.constant 0 : i32
    %scan3A_12 = arith.constant 625 : i32
    %scan3A_13 = arith.addi %scan3A_11, %scan3A_12 : i32
    %scan3A_14 = arith.constant 1 : i32
    scf.for %scan3A_70 = %scan3A_11 to %scan3A_13 step %scan3A_14  : i32 {
      %mul3A_71 = arith.constant 32 : i32
      %mul3A_72 = arith.muli %scan3A_70, %mul3A_71 : i32
      %get3A = arith.index_cast %mul3A_72 : i32 to index
      %get3A_73 = tpu.vector_load %arg4[%get3A] {strides = array<i32>} : memref<20000xf32, #tpu.memory_space<vmem>>, vector<16xf32>,
      %mul3A_74 = arith.constant 32 : i32
      %mul3A_75 = arith.muli %scan3A_70, %mul3A_74 : i32
      %add3A_76 = arith.constant 16 : i32
      %add3A_77 = arith.addi %mul3A_75, %add3A_76 : i32
      %get3A_78 = arith.index_cast %add3A_77 : i32 to index
      %get3A_79 = tpu.vector_load %arg4[%get3A_78] {strides = array<i32>} : memref<20000xf32, #tpu.memory_space<vmem>>, vector<16xf32>,
      %pack3A = tpu.pack_subelements %get3A_73, %get3A_79 {pack_format = #tpu.pack_format<interleaved>, positions = array<i32: 0, 1>} : vector<16xf32>, vector<16xf32> -> vector<32xbf16>
      %bitcast3A = vector.bitcast %pack3A : vector<32xbf16> to vector<16xi32>
      %swap3A = arith.index_cast %scan3A_70 : i32 to index
      %swap3A_80 = arith.constant 0 : index
      %swap3A_81 = tpu.vector_load %arg6[%swap3A, %swap3A_80] {strides = array<i32>} : memref<625x16xi32, #tpu.memory_space<vmem>>, vector<16xi32>,
      tpu.vector_store %arg6[%swap3A, %swap3A_80], %bitcast3A {strides = array<i32>} : memref<625x16xi32, #tpu.memory_space<vmem>>, vector<16xi32>,
    }
    %scan3A_15 = arith.constant 625 : i32
    %add3A_16 = arith.constant 0 : i32
    %add3A_17 = arith.addi %mul3A_2, %add3A_16 : i32
    "tpu.region"() ({
      %run_scoped3A = tpu.sem_alloc : memref<!tpu.dma_semaphore, #tpu.memory_space<semaphore_mem>>
      %dma_start3A_70 = arith.constant 0 : i32
      %dma_start3A_71 = tpu.memref_slice %arg3[%add3A_17, %dma_start3A_70] : memref<100000x16xi32, #tpu.memory_space<hbm>> -> memref<625x16xi32, #tpu.memory_space<hbm>>
      %dma_start3A_72 = arith.constant 0 : i32
      %dma_start3A_73 = tpu.memref_slice %arg3[%add3A_17, %dma_start3A_72] : memref<100000x16xi32, #tpu.memory_space<hbm>> -> memref<625x16xi32, #tpu.memory_space<hbm>>
      tpu.enqueue_dma source(%arg6 : memref<625x16xi32, #tpu.memory_space<vmem>>) target(%dma_start3A_73 : memref<625x16xi32, #tpu.memory_space<hbm>>) target_semaphore(%run_scoped3A : memref<!tpu.dma_semaphore, #tpu.memory_space<semaphore_mem>>)
      %dma_wait3A_74 = arith.constant 0 : i32
      %dma_wait3A_75 = tpu.memref_slice %arg3[%add3A_17, %dma_wait3A_74] : memref<100000x16xi32, #tpu.memory_space<hbm>> -> memref<625x16xi32, #tpu.memory_space<hbm>>
      %dma_wait3A_76 = arith.constant 0 : i32
      %dma_wait3A_77 = tpu.memref_slice %arg3[%add3A_17, %dma_wait3A_76] : memref<100000x16xi32, #tpu.memory_space<hbm>> -> memref<625x16xi32, #tpu.memory_space<hbm>>
      tpu.wait_dma2 semaphore(%run_scoped3A : memref<!tpu.dma_semaphore, #tpu.memory_space<semaphore_mem>>) src(%arg6 : memref<625x16xi32, #tpu.memory_space<vmem>>) dst(%dma_wait3A_77 : memref<625x16xi32, #tpu.memory_space<hbm>>)
      tpu.yield
    }) : () -> ()
    %dma_wait3A_18 = tpu.memref_slice %arg2[%mul3A_4] : memref<3200000xf32, #tpu.memory_space<hbm>> -> memref<20000xf32, #tpu.memory_space<hbm>>
    %dma_wait3A_19 = tpu.memref_slice %arg2[%mul3A_4] : memref<3200000xf32, #tpu.memory_space<hbm>> -> memref<20000xf32, #tpu.memory_space<hbm>>
    tpu.wait_dma2 semaphore(%arg8 : memref<!tpu.dma_semaphore, #tpu.memory_space<semaphore_mem>>) src(%dma_wait3A_19 : memref<20000xf32, #tpu.memory_space<hbm>>) dst(%arg5 : memref<20000xf32, #tpu.memory_space<vmem>>)
    %add3A_20 = arith.constant 40000 : i32
    %add3A_21 = arith.addi %mul3A_4, %add3A_20 : i32
    %dma_start3A_22 = tpu.memref_slice %arg2[%add3A_21] : memref<3200000xf32, #tpu.memory_space<hbm>> -> memref<20000xf32, #tpu.memory_space<hbm>>
    %dma_start3A_23 = tpu.memref_slice %arg2[%add3A_21] : memref<3200000xf32, #tpu.memory_space<hbm>> -> memref<20000xf32, #tpu.memory_space<hbm>>
    tpu.enqueue_dma source(%dma_start3A_23 : memref<20000xf32, #tpu.memory_space<hbm>>) target(%arg4 : memref<20000xf32, #tpu.memory_space<vmem>>) target_semaphore(%arg7 : memref<!tpu.dma_semaphore, #tpu.memory_space<semaphore_mem>>)
    %scan3A_24 = arith.constant 0 : i32
    %scan3A_25 = arith.constant 0 : i32
    %scan3A_26 = arith.constant 625 : i32
    %scan3A_27 = arith.addi %scan3A_25, %scan3A_26 : i32
    %scan3A_28 = arith.constant 1 : i32
    scf.for %scan3A_70 = %scan3A_25 to %scan3A_27 step %scan3A_28  : i32 {
      %mul3A_71 = arith.constant 32 : i32
      %mul3A_72 = arith.muli %scan3A_70, %mul3A_71 : i32
      %get3A = arith.index_cast %mul3A_72 : i32 to index
      %get3A_73 = tpu.vector_load %arg5[%get3A] {strides = array<i32>} : memref<20000xf32, #tpu.memory_space<vmem>>, vector<16xf32>,
      %mul3A_74 = arith.constant 32 : i32
      %mul3A_75 = arith.muli %scan3A_70, %mul3A_74 : i32
      %add3A_76 = arith.constant 16 : i32
      %add3A_77 = arith.addi %mul3A_75, %add3A_76 : i32
      %get3A_78 = arith.index_cast %add3A_77 : i32 to index
      %get3A_79 = tpu.vector_load %arg5[%get3A_78] {strides = array<i32>} : memref<20000xf32, #tpu.memory_space<vmem>>, vector<16xf32>,
      %pack3A = tpu.pack_subelements %get3A_73, %get3A_79 {pack_format = #tpu.pack_format<interleaved>, positions = array<i32: 0, 1>} : vector<16xf32>, vector<16xf32> -> vector<32xbf16>
      %bitcast3A = vector.bitcast %pack3A : vector<32xbf16> to vector<16xi32>
      %swap3A = arith.index_cast %scan3A_70 : i32 to index
      %swap3A_80 = arith.constant 0 : index
      %swap3A_81 = tpu.vector_load %arg6[%swap3A, %swap3A_80] {strides = array<i32>} : memref<625x16xi32, #tpu.memory_space<vmem>>, vector<16xi32>,
      tpu.vector_store %arg6[%swap3A, %swap3A_80], %bitcast3A {strides = array<i32>} : memref<625x16xi32, #tpu.memory_space<vmem>>, vector<16xi32>,
    }
    %scan3A_29 = arith.constant 625 : i32
    %add3A_30 = arith.constant 625 : i32
    %add3A_31 = arith.addi %mul3A_2, %add3A_30 : i32
    "tpu.region"() ({
      %run_scoped3A = tpu.sem_alloc : memref<!tpu.dma_semaphore, #tpu.memory_space<semaphore_mem>>
      %dma_start3A_70 = arith.constant 0 : i32
      %dma_start3A_71 = tpu.memref_slice %arg3[%add3A_31, %dma_start3A_70] : memref<100000x16xi32, #tpu.memory_space<hbm>> -> memref<625x16xi32, #tpu.memory_space<hbm>>
      %dma_start3A_72 = arith.constant 0 : i32
      %dma_start3A_73 = tpu.memref_slice %arg3[%add3A_31, %dma_start3A_72] : memref<100000x16xi32, #tpu.memory_space<hbm>> -> memref<625x16xi32, #tpu.memory_space<hbm>>
      tpu.enqueue_dma source(%arg6 : memref<625x16xi32, #tpu.memory_space<vmem>>) target(%dma_start3A_73 : memref<625x16xi32, #tpu.memory_space<hbm>>) target_semaphore(%run_scoped3A : memref<!tpu.dma_semaphore, #tpu.memory_space<semaphore_mem>>)
      %dma_wait3A_74 = arith.constant 0 : i32
      %dma_wait3A_75 = tpu.memref_slice %arg3[%add3A_31, %dma_wait3A_74] : memref<100000x16xi32, #tpu.memory_space<hbm>> -> memref<625x16xi32, #tpu.memory_space<hbm>>
      %dma_wait3A_76 = arith.constant 0 : i32
      %dma_wait3A_77 = tpu.memref_slice %arg3[%add3A_31, %dma_wait3A_76] : memref<100000x16xi32, #tpu.memory_space<hbm>> -> memref<625x16xi32, #tpu.memory_space<hbm>>
      tpu.wait_dma2 semaphore(%run_scoped3A : memref<!tpu.dma_semaphore, #tpu.memory_space<semaphore_mem>>) src(%arg6 : memref<625x16xi32, #tpu.memory_space<vmem>>) dst(%dma_wait3A_77 : memref<625x16xi32, #tpu.memory_space<hbm>>)
      tpu.yield
    }) : () -> ()
    %dma_wait3A_32 = tpu.memref_slice %arg2[%mul3A_4] : memref<3200000xf32, #tpu.memory_space<hbm>> -> memref<20000xf32, #tpu.memory_space<hbm>>
    %dma_wait3A_33 = tpu.memref_slice %arg2[%mul3A_4] : memref<3200000xf32, #tpu.memory_space<hbm>> -> memref<20000xf32, #tpu.memory_space<hbm>>
    tpu.wait_dma2 semaphore(%arg7 : memref<!tpu.dma_semaphore, #tpu.memory_space<semaphore_mem>>) src(%dma_wait3A_33 : memref<20000xf32, #tpu.memory_space<hbm>>) dst(%arg4 : memref<20000xf32, #tpu.memory_space<vmem>>)
    %add3A_34 = arith.constant 60000 : i32
    %add3A_35 = arith.addi %mul3A_4, %add3A_34 : i32
    %dma_start3A_36 = tpu.memref_slice %arg2[%add3A_35] : memref<3200000xf32, #tpu.memory_space<hbm>> -> memref<20000xf32, #tpu.memory_space<hbm>>
    %dma_start3A_37 = tpu.memref_slice %arg2[%add3A_35] : memref<3200000xf32, #tpu.memory_space<hbm>> -> memref<20000xf32, #tpu.memory_space<hbm>>
    tpu.enqueue_dma source(%dma_start3A_37 : memref<20000xf32, #tpu.memory_space<hbm>>) target(%arg5 : memref<20000xf32, #tpu.memory_space<vmem>>) target_semaphore(%arg8 : memref<!tpu.dma_semaphore, #tpu.memory_space<semaphore_mem>>)
    %scan3A_38 = arith.constant 0 : i32
    %scan3A_39 = arith.constant 0 : i32
    %scan3A_40 = arith.constant 625 : i32
    %scan3A_41 = arith.addi %scan3A_39, %scan3A_40 : i32
    %scan3A_42 = arith.constant 1 : i32
    scf.for %scan3A_70 = %scan3A_39 to %scan3A_41 step %scan3A_42  : i32 {
      %mul3A_71 = arith.constant 32 : i32
      %mul3A_72 = arith.muli %scan3A_70, %mul3A_71 : i32
      %get3A = arith.index_cast %mul3A_72 : i32 to index
      %get3A_73 = tpu.vector_load %arg4[%get3A] {strides = array<i32>} : memref<20000xf32, #tpu.memory_space<vmem>>, vector<16xf32>,
      %mul3A_74 = arith.constant 32 : i32
      %mul3A_75 = arith.muli %scan3A_70, %mul3A_74 : i32
      %add3A_76 = arith.constant 16 : i32
      %add3A_77 = arith.addi %mul3A_75, %add3A_76 : i32
      %get3A_78 = arith.index_cast %add3A_77 : i32 to index
      %get3A_79 = tpu.vector_load %arg4[%get3A_78] {strides = array<i32>} : memref<20000xf32, #tpu.memory_space<vmem>>, vector<16xf32>,
      %pack3A = tpu.pack_subelements %get3A_73, %get3A_79 {pack_format = #tpu.pack_format<interleaved>, positions = array<i32: 0, 1>} : vector<16xf32>, vector<16xf32> -> vector<32xbf16>
      %bitcast3A = vector.bitcast %pack3A : vector<32xbf16> to vector<16xi32>
      %swap3A = arith.index_cast %scan3A_70 : i32 to index
      %swap3A_80 = arith.constant 0 : index
      %swap3A_81 = tpu.vector_load %arg6[%swap3A, %swap3A_80] {strides = array<i32>} : memref<625x16xi32, #tpu.memory_space<vmem>>, vector<16xi32>,
      tpu.vector_store %arg6[%swap3A, %swap3A_80], %bitcast3A {strides = array<i32>} : memref<625x16xi32, #tpu.memory_space<vmem>>, vector<16xi32>,
    }
    %scan3A_43 = arith.constant 625 : i32
    %add3A_44 = arith.constant 1250 : i32
    %add3A_45 = arith.addi %mul3A_2, %add3A_44 : i32
    "tpu.region"() ({
      %run_scoped3A = tpu.sem_alloc : memref<!tpu.dma_semaphore, #tpu.memory_space<semaphore_mem>>
      %dma_start3A_70 = arith.constant 0 : i32
      %dma_start3A_71 = tpu.memref_slice %arg3[%add3A_45, %dma_start3A_70] : memref<100000x16xi32, #tpu.memory_space<hbm>> -> memref<625x16xi32, #tpu.memory_space<hbm>>
      %dma_start3A_72 = arith.constant 0 : i32
      %dma_start3A_73 = tpu.memref_slice %arg3[%add3A_45, %dma_start3A_72] : memref<100000x16xi32, #tpu.memory_space<hbm>> -> memref<625x16xi32, #tpu.memory_space<hbm>>
      tpu.enqueue_dma source(%arg6 : memref<625x16xi32, #tpu.memory_space<vmem>>) target(%dma_start3A_73 : memref<625x16xi32, #tpu.memory_space<hbm>>) target_semaphore(%run_scoped3A : memref<!tpu.dma_semaphore, #tpu.memory_space<semaphore_mem>>)
      %dma_wait3A_74 = arith.constant 0 : i32
      %dma_wait3A_75 = tpu.memref_slice %arg3[%add3A_45, %dma_wait3A_74] : memref<100000x16xi32, #tpu.memory_space<hbm>> -> memref<625x16xi32, #tpu.memory_space<hbm>>
      %dma_wait3A_76 = arith.constant 0 : i32
      %dma_wait3A_77 = tpu.memref_slice %arg3[%add3A_45, %dma_wait3A_76] : memref<100000x16xi32, #tpu.memory_space<hbm>> -> memref<625x16xi32, #tpu.memory_space<hbm>>
      tpu.wait_dma2 semaphore(%run_scoped3A : memref<!tpu.dma_semaphore, #tpu.memory_space<semaphore_mem>>) src(%arg6 : memref<625x16xi32, #tpu.memory_space<vmem>>) dst(%dma_wait3A_77 : memref<625x16xi32, #tpu.memory_space<hbm>>)
      tpu.yield
    }) : () -> ()
    %dma_wait3A_46 = tpu.memref_slice %arg2[%mul3A_4] : memref<3200000xf32, #tpu.memory_space<hbm>> -> memref<20000xf32, #tpu.memory_space<hbm>>
    %dma_wait3A_47 = tpu.memref_slice %arg2[%mul3A_4] : memref<3200000xf32, #tpu.memory_space<hbm>> -> memref<20000xf32, #tpu.memory_space<hbm>>
    tpu.wait_dma2 semaphore(%arg8 : memref<!tpu.dma_semaphore, #tpu.memory_space<semaphore_mem>>) src(%dma_wait3A_47 : memref<20000xf32, #tpu.memory_space<hbm>>) dst(%arg5 : memref<20000xf32, #tpu.memory_space<vmem>>)
    %add3A_48 = arith.constant 80000 : i32
    %add3A_49 = arith.addi %mul3A_4, %add3A_48 : i32
    %dma_start3A_50 = tpu.memref_slice %arg2[%add3A_49] : memref<3200000xf32, #tpu.memory_space<hbm>> -> memref<20000xf32, #tpu.memory_space<hbm>>
    %dma_start3A_51 = tpu.memref_slice %arg2[%add3A_49] : memref<3200000xf32, #tpu.memory_space<hbm>> -> memref<20000xf32, #tpu.memory_space<hbm>>
    tpu.enqueue_dma source(%dma_start3A_51 : memref<20000xf32, #tpu.memory_space<hbm>>) target(%arg4 : memref<20000xf32, #tpu.memory_space<vmem>>) target_semaphore(%arg7 : memref<!tpu.dma_semaphore, #tpu.memory_space<semaphore_mem>>)
    %scan3A_52 = arith.constant 0 : i32
    %scan3A_53 = arith.constant 0 : i32
    %scan3A_54 = arith.constant 625 : i32
    %scan3A_55 = arith.addi %scan3A_53, %scan3A_54 : i32
    %scan3A_56 = arith.constant 1 : i32
    scf.for %scan3A_70 = %scan3A_53 to %scan3A_55 step %scan3A_56  : i32 {
      %mul3A_71 = arith.constant 32 : i32
      %mul3A_72 = arith.muli %scan3A_70, %mul3A_71 : i32
      %get3A = arith.index_cast %mul3A_72 : i32 to index
      %get3A_73 = tpu.vector_load %arg5[%get3A] {strides = array<i32>} : memref<20000xf32, #tpu.memory_space<vmem>>, vector<16xf32>,
      %mul3A_74 = arith.constant 32 : i32
      %mul3A_75 = arith.muli %scan3A_70, %mul3A_74 : i32
      %add3A_76 = arith.constant 16 : i32
      %add3A_77 = arith.addi %mul3A_75, %add3A_76 : i32
      %get3A_78 = arith.index_cast %add3A_77 : i32 to index
      %get3A_79 = tpu.vector_load %arg5[%get3A_78] {strides = array<i32>} : memref<20000xf32, #tpu.memory_space<vmem>>, vector<16xf32>,
      %pack3A = tpu.pack_subelements %get3A_73, %get3A_79 {pack_format = #tpu.pack_format<interleaved>, positions = array<i32: 0, 1>} : vector<16xf32>, vector<16xf32> -> vector<32xbf16>
      %bitcast3A = vector.bitcast %pack3A : vector<32xbf16> to vector<16xi32>
      %swap3A = arith.index_cast %scan3A_70 : i32 to index
      %swap3A_80 = arith.constant 0 : index
      %swap3A_81 = tpu.vector_load %arg6[%swap3A, %swap3A_80] {strides = array<i32>} : memref<625x16xi32, #tpu.memory_space<vmem>>, vector<16xi32>,
      tpu.vector_store %arg6[%swap3A, %swap3A_80], %bitcast3A {strides = array<i32>} : memref<625x16xi32, #tpu.memory_space<vmem>>, vector<16xi32>,
    }
    %scan3A_57 = arith.constant 625 : i32
    %add3A_58 = arith.constant 1875 : i32
    %add3A_59 = arith.addi %mul3A_2, %add3A_58 : i32
    "tpu.region"() ({
      %run_scoped3A = tpu.sem_alloc : memref<!tpu.dma_semaphore, #tpu.memory_space<semaphore_mem>>
      %dma_start3A_70 = arith.constant 0 : i32
      %dma_start3A_71 = tpu.memref_slice %arg3[%add3A_59, %dma_start3A_70] : memref<100000x16xi32, #tpu.memory_space<hbm>> -> memref<625x16xi32, #tpu.memory_space<hbm>>
      %dma_start3A_72 = arith.constant 0 : i32
      %dma_start3A_73 = tpu.memref_slice %arg3[%add3A_59, %dma_start3A_72] : memref<100000x16xi32, #tpu.memory_space<hbm>> -> memref<625x16xi32, #tpu.memory_space<hbm>>
      tpu.enqueue_dma source(%arg6 : memref<625x16xi32, #tpu.memory_space<vmem>>) target(%dma_start3A_73 : memref<625x16xi32, #tpu.memory_space<hbm>>) target_semaphore(%run_scoped3A : memref<!tpu.dma_semaphore, #tpu.memory_space<semaphore_mem>>)
      %dma_wait3A_74 = arith.constant 0 : i32
      %dma_wait3A_75 = tpu.memref_slice %arg3[%add3A_59, %dma_wait3A_74] : memref<100000x16xi32, #tpu.memory_space<hbm>> -> memref<625x16xi32, #tpu.memory_space<hbm>>
      %dma_wait3A_76 = arith.constant 0 : i32
      %dma_wait3A_77 = tpu.memref_slice %arg3[%add3A_59, %dma_wait3A_76] : memref<100000x16xi32, #tpu.memory_space<hbm>> -> memref<625x16xi32, #tpu.memory_space<hbm>>
      tpu.wait_dma2 semaphore(%run_scoped3A : memref<!tpu.dma_semaphore, #tpu.memory_space<semaphore_mem>>) src(%arg6 : memref<625x16xi32, #tpu.memory_space<vmem>>) dst(%dma_wait3A_77 : memref<625x16xi32, #tpu.memory_space<hbm>>)
      tpu.yield
    }) : () -> ()
    %dma_wait3A_60 = tpu.memref_slice %arg2[%mul3A_4] : memref<3200000xf32, #tpu.memory_space<hbm>> -> memref<20000xf32, #tpu.memory_space<hbm>>
    %dma_wait3A_61 = tpu.memref_slice %arg2[%mul3A_4] : memref<3200000xf32, #tpu.memory_space<hbm>> -> memref<20000xf32, #tpu.memory_space<hbm>>
    tpu.wait_dma2 semaphore(%arg7 : memref<!tpu.dma_semaphore, #tpu.memory_space<semaphore_mem>>) src(%dma_wait3A_61 : memref<20000xf32, #tpu.memory_space<hbm>>) dst(%arg4 : memref<20000xf32, #tpu.memory_space<vmem>>)
    %scan3A_62 = arith.constant 0 : i32
    %scan3A_63 = arith.constant 0 : i32
    %scan3A_64 = arith.constant 625 : i32
    %scan3A_65 = arith.addi %scan3A_63, %scan3A_64 : i32
    %scan3A_66 = arith.constant 1 : i32
    scf.for %scan3A_70 = %scan3A_63 to %scan3A_65 step %scan3A_66  : i32 {
      %mul3A_71 = arith.constant 32 : i32
      %mul3A_72 = arith.muli %scan3A_70, %mul3A_71 : i32
      %get3A = arith.index_cast %mul3A_72 : i32 to index
      %get3A_73 = tpu.vector_load %arg4[%get3A] {strides = array<i32>} : memref<20000xf32, #tpu.memory_space<vmem>>, vector<16xf32>,
      %mul3A_74 = arith.constant 32 : i32
      %mul3A_75 = arith.muli %scan3A_70, %mul3A_74 : i32
      %add3A_76 = arith.constant 16 : i32
      %add3A_77 = arith.addi %mul3A_75, %add3A_76 : i32
      %get3A_78 = arith.index_cast %add3A_77 : i32 to index
      %get3A_79 = tpu.vector_load %arg4[%get3A_78] {strides = array<i32>} : memref<20000xf32, #tpu.memory_space<vmem>>, vector<16xf32>,
      %pack3A = tpu.pack_subelements %get3A_73, %get3A_79 {pack_format = #tpu.pack_format<interleaved>, positions = array<i32: 0, 1>} : vector<16xf32>, vector<16xf32> -> vector<32xbf16>
      %bitcast3A = vector.bitcast %pack3A : vector<32xbf16> to vector<16xi32>
      %swap3A = arith.index_cast %scan3A_70 : i32 to index
      %swap3A_80 = arith.constant 0 : index
      %swap3A_81 = tpu.vector_load %arg6[%swap3A, %swap3A_80] {strides = array<i32>} : memref<625x16xi32, #tpu.memory_space<vmem>>, vector<16xi32>,
      tpu.vector_store %arg6[%swap3A, %swap3A_80], %bitcast3A {strides = array<i32>} : memref<625x16xi32, #tpu.memory_space<vmem>>, vector<16xi32>,
    }
    %scan3A_67 = arith.constant 625 : i32
    %add3A_68 = arith.constant 2500 : i32
    %add3A_69 = arith.addi %mul3A_2, %add3A_68 : i32
    "tpu.region"() ({
      %run_scoped3A = tpu.sem_alloc : memref<!tpu.dma_semaphore, #tpu.memory_space<semaphore_mem>>
      %dma_start3A_70 = arith.constant 0 : i32
      %dma_start3A_71 = tpu.memref_slice %arg3[%add3A_69, %dma_start3A_70] : memref<100000x16xi32, #tpu.memory_space<hbm>> -> memref<625x16xi32, #tpu.memory_space<hbm>>
      %dma_start3A_72 = arith.constant 0 : i32
      %dma_start3A_73 = tpu.memref_slice %arg3[%add3A_69, %dma_start3A_72] : memref<100000x16xi32, #tpu.memory_space<hbm>> -> memref<625x16xi32, #tpu.memory_space<hbm>>
      tpu.enqueue_dma source(%arg6 : memref<625x16xi32, #tpu.memory_space<vmem>>) target(%dma_start3A_73 : memref<625x16xi32, #tpu.memory_space<hbm>>) target_semaphore(%run_scoped3A : memref<!tpu.dma_semaphore, #tpu.memory_space<semaphore_mem>>)
      %dma_wait3A_74 = arith.constant 0 : i32
      %dma_wait3A_75 = tpu.memref_slice %arg3[%add3A_69, %dma_wait3A_74] : memref<100000x16xi32, #tpu.memory_space<hbm>> -> memref<625x16xi32, #tpu.memory_space<hbm>>
      %dma_wait3A_76 = arith.constant 0 : i32
      %dma_wait3A_77 = tpu.memref_slice %arg3[%add3A_69, %dma_wait3A_76] : memref<100000x16xi32, #tpu.memory_space<hbm>> -> memref<625x16xi32, #tpu.memory_space<hbm>>
      tpu.wait_dma2 semaphore(%run_scoped3A : memref<!tpu.dma_semaphore, #tpu.memory_space<semaphore_mem>>) src(%arg6 : memref<625x16xi32, #tpu.memory_space<vmem>>) dst(%dma_wait3A_77 : memref<625x16xi32, #tpu.memory_space<hbm>>)
      tpu.yield
    }) : () -> ()
    return
  }
}

</mosaic_0001>

<sc_bundles>
// kernel: _run_pack.3.cloned.1.call-start
scs
__scs_entry_jumppad:
0x0: {  	(pc) =	sbr.rel $0x88, $3  }
0x1: {  	(tag) =	ssettag $0x0;
	lr =	simm.s32 $0x1  }
0x2: {  	[smem:$0x3FA0] =	sst lr;
	_ =	strace $0xD0000000  }
0x3: {  	_ = 	snop  }
0x4: {  	_ = 	snop  }
0x5: {  	_ = 	snop  }
0x6: {  	_ = 	snop  }
0x7: {  	_ = 	snop  }
__scs_overlays_trampoline_lowered:
0x8: {  	[smem:$0x3FAF] =	sst s0  }
0x9: {  	[smem:$0x3FB0] =	sst s1  }
0xa: {  	[smem:$0x3FB1] =	sst s2  }
0xb: {  	[smem:$0x3FB2] =	sst s3  }
0xc: {  	[smem:$0x3FB3] =	sst s4  }
0xd: {  	[smem:$0x3FB4] =	sst s5  }
0xe: {  	[smem:$0x3FB5] =	sst s6  }
0xf: {  	[smem:$0x3FB6] =	sst s7  }
0x10: {  	[smem:$0x3FB7] =	sst s8  }
0x11: {  	[smem:$0x3FB8] =	sst s9;
	s0 =	simm.s32 @!p0 $0x0  }
0x12: {  	s1 =	sld [smem:$0x3F9E];
	s0 =	simm.s32 @p0 $0x1  }
0x13: {  	[smem:$0x3FB9] =	sst s0;
	s0 =	simm.s32 @!p1 $0x0  }
0x14: {  	s2 =	sld [smem:$0x3F9D];
	s0 =	simm.s32 @p1 $0x1  }
0x15: {  	[smem:$0x3FBA] =	sst s0;
	s0 =	simm.s32 @!p2 $0x0  }
0x16: {  	s3 =	sld [smem:$0x3FDB];
	s0 =	simm.s32 @p2 $0x1  }
0x17: {  	s4 =	simm.s32 $0x1BF5;
	[smem:$0x3FBC] =	sst s0  }
0x18: {  	s0 =	sld [smem:$0x3F9F];
	_ =	swait.ge [sflag:s4], $0x0  }
0x19: {  	s7 =	sld [smem:$0x3FA0]  }
0x1a: {  	s8 =	sadd.s32 $0xFFFFE003, lr  }
0x1b: {  	s9 =	sadd.s32 $0xFFFFFEF7, lr;
	s5 =	simm.s32 $0xFFFFFFFF;
	p2 =	slt.u32 s8, $0xFFFFF086  }
0x1c: {  	p1 =	slt.u32 s9, $0xF7A;
	s5 =	simm.s32 @!p2 $0x0  }
0x1d: {  	s5 =	simm.s32 @p1 $0x1;
	p0 =	seq.s32 s7, s2  }
0x1e: {  	s7 =	smul.u32 @!p0 $0xF7A, s2;
	p2 =	seq.s32 @!p0 s5, $0x0  }
0x1f: {  	s9 =	smul.u32 $0xF7A, s1;
	s8 =	simm.s32 @!p0 $0x1BF5;
	p2 =	por !p2, p0  }
0x20: {  	[sflag:s8] =	ssyncset.s32 @!p0 $0xFFFFF086;
	s6 =	sadd.s32 @!p0 s3, s7;
	s7 =	simm.s32 @!p0 $0x108  }
0x21: {  	s3 =	sadd.s32 s3, s9;
	s6 =	sadd.s32 @!p0 $0x88, s6;
	s7 =	simm.s32 @p2 $0x1082  }
0x22: {  	[simem:s7], [sflag:s8] =	dma.local @!p0 [hbm:s6], $0xF7A  }
0x23: {  	s9 =	sor.u32 $0xD0000000, s2;
	s6 =	simm.s32 $0x108;
	_ =	swait.ge @!p0 [sflag:s8], $0x0  }
0x24: {  	s3 =	sadd.s32 $0x88, s3;
	s6 =	simm.s32 @!p1 $0x1082;
	[sflag:s4] =	ssyncset.s32 $0xFFFFF086  }
0x25: {  	[simem:s6], [sflag:s4] =	dma.local [hbm:s3], $0xF7A  }
0x26: {  	[smem:$0x3FA0] =	sst s1;
	(tag) =	ssettag s2;
	_ =	strace s9  }
0x27: {  	s1 =	sld [smem:$0x3FB0]  }
0x28: {  	s2 =	sld [smem:$0x3FB1]  }
0x29: {  	s4 =	sld [smem:$0x3FB3]  }
0x2a: {  	p0 =	seq.s32 s5, $0x0;
	s5 =	sld [smem:$0x3FB4]  }
0x2b: {  	s6 =	sld [smem:$0x3FB5]  }
0x2c: {  	s7 =	sld [smem:$0x3FB6]  }
0x2d: {  	s3 =	simm.s32 $0x108;
	s8 =	sld [smem:$0x3FB7]  }
0x2e: {  	s3 =	simm.s32 @!p0 $0x1082;
	s9 =	sld [smem:$0x3FB8]  }
0x2f: {  	lr =	sadd.s32 s0, s3;
	s0 =	sld [smem:$0x3FAF]  }
0x30: {  	s3 =	sld [smem:$0x3FB2]  }
0x31: {  	[smem:$0x3FBB] =	sst s10  }
0x32: {  	s10 =	sld [smem:$0x3FB9];
	_ =	sdelay $0x3  }
0x33: {  	p0 =	seq.s32 s10, $0x1;
	s10 =	sld [smem:$0x3FBB];
	_ =	sdelay $0x3  }
0x34: {  	[smem:$0x3FBB] =	sst s10  }
0x35: {  	s10 =	sld [smem:$0x3FBA];
	_ =	sdelay $0x3  }
0x36: {  	p1 =	seq.s32 s10, $0x1;
	s10 =	sld [smem:$0x3FBB];
	_ =	sdelay $0x3  }
0x37: {  	[smem:$0x3FBB] =	sst s10  }
0x38: {  	s10 =	sld [smem:$0x3FBC]  }
0x39: {  	_ = 	snop;
	(pc) =	sbr.ind lr, $3  }
0x3a: {  	_ = 	snop  }
0x3b: {  	_ = 	snop  }
0x3c: {  	p2 =	seq.s32 s10, $0x1;
	s10 =	sld [smem:$0x3FBB]  }
0x3d: {  	_ =	shalt  }
0x3e: {  	_ =	shalt  }
0x3f: {  	_ =	shalt  }
0x40: {  	_ =	shalt  }
0x41: {  	_ =	shalt  }
0x42: {  	_ =	shalt  }
0x43: {  	_ =	shalt  }
0x44: {  	_ =	shalt  }
0x45: {  	_ =	shalt  }
0x46: {  	_ =	shalt  }
0x47: {  	_ =	shalt  }
0x48: {  	_ =	shalt  }
0x49: {  	_ =	shalt  }
0x4a: {  	_ =	shalt  }
0x4b: {  	_ =	shalt  }
0x4c: {  	_ =	shalt  }
0x4d: {  	_ =	shalt  }
0x4e: {  	_ =	shalt  }
0x4f: {  	_ =	shalt  }
0x50: {  	_ =	shalt  }
0x51: {  	_ =	shalt  }
0x52: {  	_ =	shalt  }
0x53: {  	_ =	shalt  }
0x54: {  	_ =	shalt  }
0x55: {  	_ =	shalt  }
0x56: {  	_ =	shalt  }
0x57: {  	_ =	shalt  }
0x58: {  	_ =	shalt  }
0x59: {  	_ =	shalt  }
0x5a: {  	_ =	shalt  }
0x5b: {  	_ =	shalt  }
0x5c: {  	_ =	shalt  }
0x5d: {  	_ =	shalt  }
0x5e: {  	_ =	shalt  }
0x5f: {  	_ =	shalt  }
0x60: {  	_ =	shalt  }
0x61: {  	_ =	shalt  }
0x62: {  	_ =	shalt  }
0x63: {  	_ =	shalt  }
0x64: {  	_ =	shalt  }
0x65: {  	_ =	shalt  }
0x66: {  	_ =	shalt  }
0x67: {  	_ =	shalt  }
0x68: {  	_ =	shalt  }
0x69: {  	_ =	shalt  }
0x6a: {  	_ =	shalt  }
0x6b: {  	_ =	shalt  }
0x6c: {  	_ =	shalt  }
0x6d: {  	_ =	shalt  }
0x6e: {  	_ =	shalt  }
0x6f: {  	_ =	shalt  }
0x70: {  	_ =	shalt  }
0x71: {  	_ =	shalt  }
0x72: {  	_ =	shalt  }
0x73: {  	_ =	shalt  }
0x74: {  	_ =	shalt  }
0x75: {  	_ =	shalt  }
0x76: {  	_ =	shalt  }
0x77: {  	_ =	shalt  }
0x78: {  	_ =	shalt  }
0x79: {  	_ =	shalt  }
0x7a: {  	_ =	shalt  }
0x7b: {  	_ =	shalt  }
0x7c: {  	_ =	shalt  }
0x7d: {  	_ =	shalt  }
0x7e: {  	_ =	shalt  }
0x7f: {  	_ =	shalt  }
0x80: {  	_ =	shalt  }
0x81: {  	_ =	shalt  }
0x82: {  	_ =	shalt  }
0x83: {  	_ =	shalt  }
0x84: {  	_ =	shalt  }
0x85: {  	_ =	shalt  }
0x86: {  	_ =	shalt  }
0x87: {  	_ =	shalt  }
.Lfunc_end0:
.L_simem_size_0:
called_computation_lowered:
.L_overlay_start_0:
0x88: {  	s2 =	sld [smem:$0x3FD9]  }
0x89: {  	s3 =	sld [smem:$0x3FFE];
	_ =	sdelay $0x1  }
0x8a: {  	s1 =	srdreg.scid  }
0x8b: {  	s0 =	sand.u32 $0x1, s1  }
0x8c: {  	s18 =	sshll.u32 s0, $0xA;
	s2 =	sadd.s32 s3, s2  }
0x8d: {  	s2 =	sadd.s32 s2, s18  }
0x8e: {  	[smem:$0x3FC7] =	sst s2  }
0x8f: {  	_ = 	snop  }
0x90: {  	s2 =	sld [smem:$0x3FC9]  }
0x91: {  	s19 =	sld [smem:$0x3FD0];
	(tm) =	ssettm $0x1  }
0x92: {  	s4 =	sld [smem:$0x3FFB];
	_ =	sdelay $0x3  }
0x93: {  	_ =	strace s4  }
0x94: {  	s4 =	sld [smem:$0x3FFC];
	_ =	sdelay $0x3  }
0x95: {  	_ =	strace s4  }
0x96: {  	s4 =	sld [smem:$0x3FFD];
	_ =	sdelay $0x3  }
0x97: {  	_ =	strace s4  }
0x98: {  	_ =	strace $0x8FFFFFFF  }
0x99: {  	s20 =	sld [smem:$0x3FDB];
	_ =	sdelay $0x1  }
0x9a: {  	s5 =	simm.s32 $_scs_section_size  }
0x9b: {  	s6 =	simm.s32 $_size__tile_overlayer_lowered;
	s7 =	simm.s32 $_tile_overlayer_lowered  }
0x9c: {  	s23 =	simm.s32 $0x1BFF;
	s22 =	sshll.u32 s7, $0x1;
	s4 =	sadd.s32 s5, s20  }
0x9d: {  	s8 =	simm.s32 $0x0;
	s21 =	sshll.u32 s6, $0x1;
	s6 =	sadd.s32 s22, s4  }
0x9e: {  	[timem:s8], [sflag:s23] =	dma.local [hbm:s6], s21  }
0x9f: {  	_ =	swait.ge [sflag:s23], s21  }
0xa0: {  	s5 =	ssub.s32 $0x0, s21;
	[sflag:s23] =	ssyncset.done $0x0  }
0xa1: {  	[sflag:s23] =	ssyncadd.s32 s5;
	_ =	sdelay $0x1  }
0xa2: {  	s24 =	simm.s32 $0x1B8B  }
0xa3: {  	_ =	swait.ge [sflag:s24], $0x1  }
0xa4: {  	[sflag:s24] =	ssyncset.done $0x0  }
0xa5: {  	s25 =	simm.s32 $0x1B8E;
	[sflag:s24] =	ssyncadd.s32 $0xFFFFFFFF  }
0xa6: {  	s26 =	simm.s32 $execute0_lowered;
	[smem:$0x3FD2] =	sst s25  }
0xa7: {  	s5 =	sshll.u32 s26, $0x1;
	_ =	strace $0x80000046;
	[dreg:$0x1] =	wrdreg $0xFFFFFFFF  }
0xa8: {  	s28 =	simm.s32 $_size_execute0_lowered;
	s4 =	sadd.s32 s4, s5;
	[dreg:$0x0] =	wrdreg $0x0  }
0xa9: {  	s5 =	sshll.u32 s28, $0x1;
	[dreg:$0x2] =	wrdreg s4  }
0xaa: {  	[dreg:$0x3] =	wrdreg s5  }
0xab: {  	[dreg:$0x4] =	wrdreg $0xC0  }
0xac: {  	_ =	task [dreg:s8], $0x5FFFF  }
0xad: {  	[dreg:$0x1] =	wrdreg $0xFFFFFFFF  }
0xae: {  	[dreg:$0x0] =	wrdreg $0x60  }
0xaf: {  	[dreg:$0x2] =	wrdreg s2  }
0xb0: {  	[dreg:$0x3] =	wrdreg s19  }
0xb1: {  	[dreg:$0x4] =	wrdreg $0x9  }
0xb2: {  	_ =	task.clear_ibuf [dreg:s8], $0x5FFFF;
	_ =	strace $0x90000046  }
0xb3: {  	s29 =	simm.s32 $0x9;
	_ =	strace $0x80000048  }
0xb4: {  	_ =	swait.ge [sflag:s29], $0x1  }
0xb5: {  	[sflag:s29] =	ssyncadd.s32 $0xFFFFFFFF  }
0xb6: {  	_ =	strace $0x90000048  }
0xb7: {  	_ =	sfence  }
0xb8: {  	s30 =	sld [smem:$0x0];
	_ =	sdelay $0x2  }
0xb9: {  	s31 =	sshll.u32 s1, $0xD;
	s1 =	sshrl.u32 s1, $0x2  }
0xba: {  	s3 =	sand.u32 $0x4000, s31;
	s1 =	sadd.s32 s1, s30  }
0xbb: {  	s0 =	sor.u32 s3, s0;
	s1 =	sshll.u32 s1, $0x11  }
0xbc: {  	s0 =	sor.u32 s1, s0  }
0xbd: {  	s0 =	sadd.s32 $0x8F2B, s0  }
0xbe: {  	[sflag:s0] =	ssyncadd.remote.s32 $0x1  }
0xbf: {  	_ =	sfence.sel $0xFFFF  }
0xc0: {  	[dreg:$0x0] =	wrdreg $0xFFFFFFFF;
	(pc) =	sbr.abs _section_cstart, $3  }
0xc1: {  	[dreg:$0x1] =	wrdreg $0xFFFFFFFF  }
0xc2: {  	_ =	task.clear_ibuf [dreg:s8], $0x2FFFF;
	_ =	strace $0x9FFFFFFF  }
0xc3: {  	(tm) =	ssettm $0x7FFFFFFF  }
tec
execute0_lowered:
.L_overlay_start_1:
0x0: {  	(tag) =	ssettag $0x1  }
0x1: {  	s1 =	srdreg.scid;
	s3 =	rddreg [dreg:$0x0]  }
0x2: {  	s0 =	stileid.u32;
	s5 =	rddreg [dreg:$0x1]  }
0x3: {  	s2 =	simm.s32 $0x0;
	s14 =	simm.s32 $0x1;
	s15 =	simm.s32 $0x4E20  }
0x4: {  	s16 =	simm.s32 $0x9C40;
	s4 =	sand.u32 $0x1, s1;
	s30 =	sshll.u32 s0, $0x1  }
0x5: {  	s17 =	simm.s32 $0x3;
	s18 =	simm.s32 $0x2;
	s6 =	sor.u32 s4, s30  }
0x6: {  	s19 =	simm.s32 $0x0;
	s1 =	rddreg [dreg:$0x2];
	s7 =	smul.u32 $0x186A0, s6  }
0x7: {  	[smem:$0x7FF] =	sst s2;
	s4 =	ssub.s32 $0x2, s4;
	s8 =	smul.u32 $0xC350, s6  }
0x8: {  	_ =	strace $0x80000047;
	s9 =	sshrl.u32 s4, $0x1;
	s6 =	smul.u32 $0x186A, s6  }
0x9: {  	s13 =	ssub.s32 s4, s9;
	s7 =	sshrl.u32 s7, $0x3;
	s31 =	sshrl.u32 s8, $0x3  }
0xa: {  	s13 =	smax.u32 s13, $0x1;
	s3 =	sadd.s32 s3, s7;
	s12 =	sadd.s32 s5, s31  }
0xb: {  	s5 =	sadd.s32 s5, s6;
	s4 =	sadd.s32 $0x9C4, s3;
	s6 =	sadd.s32 $0x1388, s3  }
0xc: {  	s7 =	sadd.s32 $0x4E2, s12;
	s8 =	sadd.s32 $0x1D4C, s3;
	s9 =	sadd.s32 $0x9C4, s12  }
0xd: {  	s10 =	sadd.s32 $0x2710, s3;
	s11 =	sadd.s32 $0xEA6, s12;
	s12 =	sadd.s32 $0x1388, s12  }
.LBB2_1:
0xe: {  	[tilespmem:s2], [sflag:$0x1] =	stream.linear.gather [hbm4b:s3+s2], $0x4E20, $0x38;
	[tilespmem:$0xC350] =	vst v63  }
0xf: {  	_ =	swait.ge [sflag:s14], $0x4E20  }
0x10: {  	[sflag:s14] =	ssyncset.done $0x0  }
0x11: {  	s20 =	simm.s32 $0x10;
	[sflag:s14] =	ssyncadd.s32 $0xFFFFB1E0  }
0x12: {  	[tilespmem:s15], [sflag:$0x2] =	stream.linear.gather [hbm4b:s4+s2], $0x4E20, $0x38;
	[tilespmem:$0xC350] =	vst v63  }
0x13: {  	v0 =	vld [tilespmem:s20+$0x0]  }
0x14: {  	s22 =	simm.s32 $0x40;
	s21 =	simm.s32 $0x0;
	v1 =	vld [tilespmem:s20+$0xFFFFFFF0]  }
.LBB2_2:
0x15: {  	p0 =	sne.s32 s22, $0x9C00;
	_ =	sdelay $0x2  }
.Ltmp0:
0x16: {  	(pc) =	sbr.rel @p0 .LBB2_2-.Ltmp0, $4  }
0x17: {  	s23 =	sshra.s32 s21, $0x2;
	s21 =	smov.u32 s22;
	v0 =	vpack.i.f32.bf16 v0, v1  }
0x18: {  	s20 =	sadd.s32 $0x20, s20;
	[tilespmem:s23+$0x9C40] =	vst v0  }
0x19: {  	v0 =	vld [tilespmem:s20+$0x0]  }
0x1a: {  	s22 =	sadd.s32 $0x40, s22;
	v1 =	vld [tilespmem:s20+$0xFFFFFFF0]  }
0x1b: {  	_ =	sdelay $0x3  }
0x1c: {  	s20 =	sshra.s32 s21, $0x2;
	v0 =	vpack.i.f32.bf16 v0, v1  }
0x1d: {  	[tilespmem:s20+$0x9C40] =	vst v0;
	s20 =	simm.s32 $0x0  }
0x1e: {  	[hbm4b:s5+s20] =	stream.linear.scatter [tilespmem:s16], [sflag:$0x3], $0x2710, $0x38;
	[tilespmem:$0xC350] =	vst v63  }
0x1f: {  	_ =	swait.ge [sflag:s17], $0x2710  }
0x20: {  	[sflag:s17] =	ssyncset.done $0x0  }
0x21: {  	[sflag:s17] =	ssyncadd.s32 $0xFFFFD8F0  }
0x22: {  	_ =	swait.ge [sflag:s18], $0x4E20  }
0x23: {  	[sflag:s18] =	ssyncset.done $0x0  }
0x24: {  	s21 =	simm.s32 $0x4E30;
	[sflag:s18] =	ssyncadd.s32 $0xFFFFB1E0  }
0x25: {  	[tilespmem:s20], [sflag:$0x1] =	stream.linear.gather [hbm4b:s6+s20], $0x4E20, $0x38;
	[tilespmem:$0xC350] =	vst v63  }
0x26: {  	v0 =	vld [tilespmem:s21+$0x0]  }
0x27: {  	s22 =	simm.s32 $0x40;
	v1 =	vld [tilespmem:s21+$0xFFFFFFF0]  }
.LBB2_4:
0x28: {  	p0 =	sne.s32 s22, $0x9C00;
	_ =	sdelay $0x2  }
.Ltmp1:
0x29: {  	(pc) =	sbr.rel @p0 .LBB2_4-.Ltmp1, $4  }
0x2a: {  	s23 =	sshra.s32 s20, $0x2;
	s20 =	smov.u32 s22;
	v0 =	vpack.i.f32.bf16 v0, v1  }
0x2b: {  	s21 =	sadd.s32 $0x20, s21;
	[tilespmem:s23+$0x9C40] =	vst v0  }
0x2c: {  	v0 =	vld [tilespmem:s21+$0x0]  }
0x2d: {  	s22 =	sadd.s32 $0x40, s22;
	v1 =	vld [tilespmem:s21+$0xFFFFFFF0]  }
0x2e: {  	_ =	sdelay $0x3  }
0x2f: {  	s20 =	sshra.s32 s20, $0x2;
	v0 =	vpack.i.f32.bf16 v0, v1  }
0x30: {  	[tilespmem:s20+$0x9C40] =	vst v0;
	s20 =	simm.s32 $0x0  }
0x31: {  	[hbm4b:s7+s20] =	stream.linear.scatter [tilespmem:s16], [sflag:$0x3], $0x2710, $0x38;
	[tilespmem:$0xC350] =	vst v63  }
0x32: {  	_ =	swait.ge [sflag:s17], $0x2710  }
0x33: {  	[sflag:s17] =	ssyncset.done $0x0  }
0x34: {  	[sflag:s17] =	ssyncadd.s32 $0xFFFFD8F0  }
0x35: {  	_ =	swait.ge [sflag:s14], $0x4E20  }
0x36: {  	[sflag:s14] =	ssyncset.done $0x0  }
0x37: {  	s21 =	simm.s32 $0x10;
	[sflag:s14] =	ssyncadd.s32 $0xFFFFB1E0  }
0x38: {  	[tilespmem:s15], [sflag:$0x2] =	stream.linear.gather [hbm4b:s8+s20], $0x4E20, $0x38;
	[tilespmem:$0xC350] =	vst v63  }
0x39: {  	v0 =	vld [tilespmem:s21+$0x0]  }
0x3a: {  	s22 =	simm.s32 $0x40;
	v1 =	vld [tilespmem:s21+$0xFFFFFFF0]  }
.LBB2_6:
0x3b: {  	p0 =	sne.s32 s22, $0x9C00;
	_ =	sdelay $0x2  }
.Ltmp2:
0x3c: {  	(pc) =	sbr.rel @p0 .LBB2_6-.Ltmp2, $4  }
0x3d: {  	s23 =	sshra.s32 s20, $0x2;
	s20 =	smov.u32 s22;
	v0 =	vpack.i.f32.bf16 v0, v1  }
0x3e: {  	s21 =	sadd.s32 $0x20, s21;
	[tilespmem:s23+$0x9C40] =	vst v0  }
0x3f: {  	v0 =	vld [tilespmem:s21+$0x0]  }
0x40: {  	s22 =	sadd.s32 $0x40, s22;
	v1 =	vld [tilespmem:s21+$0xFFFFFFF0]  }
0x41: {  	_ =	sdelay $0x3  }
0x42: {  	s20 =	sshra.s32 s20, $0x2;
	v0 =	vpack.i.f32.bf16 v0, v1  }
0x43: {  	[tilespmem:s20+$0x9C40] =	vst v0;
	s20 =	simm.s32 $0x0  }
0x44: {  	[hbm4b:s9+s20] =	stream.linear.scatter [tilespmem:s16], [sflag:$0x3], $0x2710, $0x38;
	[tilespmem:$0xC350] =	vst v63  }
0x45: {  	_ =	swait.ge [sflag:s17], $0x2710  }
0x46: {  	[sflag:s17] =	ssyncset.done $0x0  }
0x47: {  	[sflag:s17] =	ssyncadd.s32 $0xFFFFD8F0  }
0x48: {  	_ =	swait.ge [sflag:s18], $0x4E20  }
0x49: {  	[sflag:s18] =	ssyncset.done $0x0  }
0x4a: {  	s21 =	simm.s32 $0x4E30;
	[sflag:s18] =	ssyncadd.s32 $0xFFFFB1E0  }
0x4b: {  	[tilespmem:s20], [sflag:$0x1] =	stream.linear.gather [hbm4b:s10+s20], $0x4E20, $0x38;
	[tilespmem:$0xC350] =	vst v63  }
0x4c: {  	v0 =	vld [tilespmem:s21+$0x0]  }
0x4d: {  	s22 =	simm.s32 $0x40;
	v1 =	vld [tilespmem:s21+$0xFFFFFFF0]  }
.LBB2_8:
0x4e: {  	p0 =	sne.s32 s22, $0x9C00;
	_ =	sdelay $0x2  }
.Ltmp3:
0x4f: {  	(pc) =	sbr.rel @p0 .LBB2_8-.Ltmp3, $4  }
0x50: {  	s23 =	sshra.s32 s20, $0x2;
	s20 =	smov.u32 s22;
	v0 =	vpack.i.f32.bf16 v0, v1  }
0x51: {  	s21 =	sadd.s32 $0x20, s21;
	[tilespmem:s23+$0x9C40] =	vst v0  }
0x52: {  	v0 =	vld [tilespmem:s21+$0x0]  }
0x53: {  	s22 =	sadd.s32 $0x40, s22;
	v1 =	vld [tilespmem:s21+$0xFFFFFFF0]  }
0x54: {  	_ =	sdelay $0x3  }
0x55: {  	s20 =	sshra.s32 s20, $0x2;
	v0 =	vpack.i.f32.bf16 v0, v1  }
0x56: {  	[tilespmem:s20+$0x9C40] =	vst v0;
	s20 =	simm.s32 $0x0  }
0x57: {  	[hbm4b:s11+s20] =	stream.linear.scatter [tilespmem:s16], [sflag:$0x3], $0x2710, $0x38;
	[tilespmem:$0xC350] =	vst v63  }
0x58: {  	_ =	swait.ge [sflag:s17], $0x2710  }
0x59: {  	[sflag:s17] =	ssyncset.done $0x0  }
0x5a: {  	[sflag:s17] =	ssyncadd.s32 $0xFFFFD8F0  }
0x5b: {  	_ =	swait.ge [sflag:s14], $0x4E20  }
0x5c: {  	[sflag:s14] =	ssyncset.done $0x0  }
0x5d: {  	s21 =	simm.s32 $0x10;
	[sflag:s14] =	ssyncadd.s32 $0xFFFFB1E0  }
0x5e: {  	v0 =	vld [tilespmem:s21+$0x0]  }
0x5f: {  	s22 =	simm.s32 $0x40;
	v1 =	vld [tilespmem:s21+$0xFFFFFFF0]  }
.LBB2_10:
0x60: {  	p0 =	sne.s32 s22, $0x9C00;
	_ =	sdelay $0x2  }
.Ltmp4:
0x61: {  	(pc) =	sbr.rel @p0 .LBB2_10-.Ltmp4, $4  }
0x62: {  	s23 =	sshra.s32 s20, $0x2;
	s20 =	smov.u32 s22;
	v0 =	vpack.i.f32.bf16 v0, v1  }
0x63: {  	s21 =	sadd.s32 $0x20, s21;
	[tilespmem:s23+$0x9C40] =	vst v0  }
0x64: {  	v0 =	vld [tilespmem:s21+$0x0]  }
0x65: {  	s22 =	sadd.s32 $0x40, s22;
	v1 =	vld [tilespmem:s21+$0xFFFFFFF0]  }
0x66: {  	_ =	sdelay $0x2  }
0x67: {  	s19 =	sadd.s32 $0x1, s19  }
0x68: {  	s20 =	sshra.s32 s20, $0x2;
	p0 =	sne.s32 s19, s13;
	v0 =	vpack.i.f32.bf16 v0, v1  }
.Ltmp5:
0x69: {  	[tilespmem:s20+$0x9C40] =	vst v0;
	(pc) =	sbr.rel @p0 .LBB2_1-.Ltmp5, $4  }
0x6a: {  	[hbm4b:s12+s2] =	stream.linear.scatter [tilespmem:s16], [sflag:$0x3], $0x2710, $0x38;
	[tilespmem:$0xC350] =	vst v63  }
0x6b: {  	_ =	swait.ge [sflag:s17], $0x2710  }
0x6c: {  	[sflag:s17] =	ssyncset.done $0x0  }
0x6d: {  	[sflag:s17] =	ssyncadd.s32 $0xFFFFD8F0  }
0x6e: {  	_ =	sfence.sel $0x180000  }
0x6f: {  	[bflag:$0x0] =	sbarrier.arrive $0xFFFF  }
0x70: {  	p0 =	sne.s32 s0, $0x0;
	_ =	strace $0x90000047  }
0x71: {  	s0 =	sadd.s32 @!p0 $0x100000, s1;
	[bflag:$0x2] =	sbarrier.arrive $0xFFFF  }
0x72: {  	[sflag:s0] =	ssyncadd.tile.s32 @!p0 $0x1;
	_ =	shalt  }
.Lfunc_end2:
_tile_overlayer_lowered:
.L_overlay_start_2:
0x73: {  	(tag) =	ssettag $0x2  }
0x74: {  	s0 =	rddreg [dreg:$0x0];
	s2 =	stileid.u32  }
0x75: {  	s1 =	rddreg [dreg:$0x1];
	p0 =	sne.s32 s2, $0x0  }
0x76: {  	s3 =	rddreg [dreg:$0x2];
	[bflag:$0x3] =	sbarrier.arrive $0xFFFF;
	s2 =	simm.s32 @!p0 $0x1C03  }
0x77: {  	[timem:s3], [sflag:s2] =	dma.local @!p0 [hbm:s0], s1  }
0x78: {  	s0 =	simm.s32 @!p0 $0x3  }
0x79: {  	_ =	swait.ge @!p0 [sflag:s0], s1  }
0x7a: {  	s1 =	ssub.s32 @!p0 $0x0, s1;
	[sflag:s0] =	ssyncset.done @!p0 $0x0  }
0x7b: {  	[sflag:s0] =	ssyncadd.s32 @!p0 s1  }
0x7c: {  	[bflag:$0x3] =	sbarrier.arrive $0xFFFF  }
0x7d: {  	_ =	shalt  }

</sc_bundles>
